<compile_context>
chip_gen: v7x
topology: tpu7x:2x2x1
jax: 0.10.2.dev20260603
libtpu: 0.0.44.dev20260713+nightly
codegen_flags: <defaults>
</compile_context>

<pallas_src>
import functools

import jax
import jax.numpy as jnp
from jax import lax
from jax.experimental import pallas as pl
from jax.experimental.pallas import tpu as pltpu
from jax.experimental.pallas import tpu_sc as plsc

_B = 256
_D = 256
_K = 1024


def _dist_kernel(x_ref, w_ref, idx_ref, loss_ref):
    x = x_ref[...] + 1e-6
    w = w_ref[...]
    wsq_half = 0.5 * jnp.sum(w * w, axis=0, keepdims=True)
    xw = jax.lax.dot_general(
        x, w, (((1,), (0,)), ((), ())),
        preferred_element_type=jnp.float32,
        precision=jax.lax.Precision.HIGHEST,
    )
    s = wsq_half - xw
    min_s = jnp.min(s, axis=1)
    idx_ref[...] = jnp.argmin(s, axis=1)
    xsq = jnp.sum(x * x, axis=1)
    d2min = jnp.maximum(xsq + 2.0 * min_s, 0.0)
    loss_ref[...] = jnp.reshape(
        jnp.sum(jnp.sqrt(d2min)) / jnp.float32(_B), (1, 1))


_SC_MESH = plsc.VectorSubcoreMesh(core_axis_name="c", subcore_axis_name="s")


@functools.partial(
    pl.kernel,
    mesh=_SC_MESH,
    compiler_params=pltpu.CompilerParams(needs_layout_passes=False),
    out_type=jax.ShapeDtypeStruct((2 * _B,), jnp.float32),
    scratch_types=[
        pltpu.VMEM((2 * _K,), jnp.float32),
        pltpu.VMEM((_B,), jnp.int32),
        pltpu.VMEM((16,), jnp.float32),
    ],
)
def _gather_kernel(loc_hbm, idx_hbm, out_hbm, loc_v, idx_v, out_v):
    wid = lax.axis_index("s") * 2 + lax.axis_index("c")
    pltpu.sync_copy(loc_hbm, loc_v)
    pltpu.sync_copy(idx_hbm, idx_v)
    j = 16 * wid + lax.iota(jnp.int32, 16)
    bmu = plsc.load_gather(idx_v, [j >> 1])
    out_v[...] = plsc.load_gather(loc_v, [2 * bmu + (j & 1)])
    pltpu.sync_copy(out_v, out_hbm.at[pl.ds(16 * wid, 16)])


def kernel(input, weight, locations):
    idx, loss = pl.pallas_call(
        _dist_kernel,
        out_shape=(
            jax.ShapeDtypeStruct((_B,), jnp.int32),
            jax.ShapeDtypeStruct((1, 1), jnp.float32),
        ),
    )(input, weight)
    bmu_flat = _gather_kernel(locations.reshape(-1), idx)
    return bmu_flat.reshape(_B, 1, 2), loss.reshape(())

# --- scband reference (transcript-rebuilt; emitter-appended) ---
"""Pipeline reference for scband-som-12850542150412 (READ-ONLY COPY).

The authoritative reference and input builder live on the scoring server;
editing this copy changes nothing except your own understanding.
"""

import jax, jax.numpy as jnp
import numpy as np

B = 256
D = 256  # input_size
OUT = 32  # out_size[0] (and out_size[1])
K = OUT * OUT  # number of SOM units


def setup_inputs(seed: int = 0) -> dict:
    key = jax.random.key(seed)
    k1, k2 = jax.random.split(key)
    inp = jax.random.normal(k1, (B, D), dtype=jnp.float32)
    # learned parameter: weight [input_size, out_size[0]*out_size[1]]
    weight = jax.random.normal(k2, (D, K), dtype=jnp.float32)
    # locations parameter: grid coordinates (x, y) for x, y in range(out_size[0])
    xs, ys = jnp.meshgrid(jnp.arange(OUT), jnp.arange(OUT), indexing='ij')
    locations = jnp.stack([xs.reshape(-1), ys.reshape(-1)], axis=1).astype(jnp.float32)  # [K, 2]
    return {"input": inp, "weight": weight, "locations": locations}


def reference(input, weight, locations):
    # SOM.forward: pairwise L2 distance (reduced over the feature dim, as in the
    # legacy torch.nn.PairwiseDistance behavior this SOM relies on), then min/argmin
    # over the K units (best matching unit).
    batch_size = input.shape[0]
    x = input.reshape(batch_size, -1, 1)                 # [B, D, 1]
    diff = x - weight[None, :, :] + 1e-6                 # [B, D, K] (eps inside norm, as in F.pairwise_distance)
    dists = jnp.sqrt(jnp.sum(diff * diff, axis=1))       # [B, K]
    losses = jnp.min(dists, axis=1, keepdims=True)       # [B, 1]
    bmu_indexes = jnp.argmin(dists, axis=1)[:, None]     # [B, 1]
    bmu_locations = locations[bmu_indexes]               # [B, 1, 2] gather
    loss = jnp.sum(losses) / batch_size                  # scalar (torch returns .item())
    return bmu_locations, loss

if __name__ == "__main__":
    import jax
    _d = setup_inputs()
    print(jax.jit(kernel)(*tuple(_d.values())))

</pallas_src>

<mosaic_0001>
#map = affine_map<(d0, d1) -> (0)>
module attributes {stable_mosaic.version = 14 : i64} {
  func.func @_gather_kernel(%arg0: i32, %arg1: i32, %arg2: memref<2048xf32, #tpu.memory_space<hbm>>, %arg3: memref<256xi32, #tpu.memory_space<hbm>>, %arg4: memref<512xf32, #tpu.memory_space<hbm>>, %arg5: memref<2048xf32, #tpu.memory_space<vmem>>, %arg6: memref<256xi32, #tpu.memory_space<vmem>>, %arg7: memref<16xf32, #tpu.memory_space<vmem>>) attributes {dimension_semantics = [#tpu.dimension_semantics<core_parallel>, #tpu.dimension_semantics<subcore_parallel>], iteration_bounds = array<i64: 2, 16>, scalar_prefetch = 0 : i64, scratch_operands = 3 : i64, tpu.core_type = #tpu.core_type<sc_vector_subcore>, window_params = [{transform_indices = #map}, {transform_indices = #map}, {transform_indices = #map}]} {
    %mul3A = arith.constant 2 : i32
    %mul3A_0 = arith.muli %arg1, %mul3A : i32
    %add3A = arith.addi %mul3A_0, %arg0 : i32
    "tpu.region"() ({
      %run_scoped3A = tpu.sem_alloc : memref<!tpu.dma_semaphore, #tpu.memory_space<semaphore_mem>>
      tpu.enqueue_dma source(%arg2 : memref<2048xf32, #tpu.memory_space<hbm>>) target(%arg5 : memref<2048xf32, #tpu.memory_space<vmem>>) target_semaphore(%run_scoped3A : memref<!tpu.dma_semaphore, #tpu.memory_space<semaphore_mem>>)
      tpu.wait_dma2 semaphore(%run_scoped3A : memref<!tpu.dma_semaphore, #tpu.memory_space<semaphore_mem>>) src(%arg2 : memref<2048xf32, #tpu.memory_space<hbm>>) dst(%arg5 : memref<2048xf32, #tpu.memory_space<vmem>>)
      tpu.yield
    }) : () -> ()
    "tpu.region"() ({
      %run_scoped3A = tpu.sem_alloc : memref<!tpu.dma_semaphore, #tpu.memory_space<semaphore_mem>>
      tpu.enqueue_dma source(%arg3 : memref<256xi32, #tpu.memory_space<hbm>>) target(%arg6 : memref<256xi32, #tpu.memory_space<vmem>>) target_semaphore(%run_scoped3A : memref<!tpu.dma_semaphore, #tpu.memory_space<semaphore_mem>>)
      tpu.wait_dma2 semaphore(%run_scoped3A : memref<!tpu.dma_semaphore, #tpu.memory_space<semaphore_mem>>) src(%arg3 : memref<256xi32, #tpu.memory_space<hbm>>) dst(%arg6 : memref<256xi32, #tpu.memory_space<vmem>>)
      tpu.yield
    }) : () -> ()
    %mul3A_1 = arith.constant 16 : i32
    %mul3A_2 = arith.muli %mul3A_1, %add3A : i32
    %iota3A = tpu.iota {dimensions = array<i32: 0>} : vector<16xi32>
    %add3A_3 = vector.broadcast %mul3A_2 : i32 to vector<16xi32>
    %add3A_4 = arith.addi %add3A_3, %iota3A : vector<16xi32>
    %shift_right_arithmetic3A = arith.constant 1 : i32
    %shift_right_arithmetic3A_5 = vector.broadcast %shift_right_arithmetic3A : i32 to vector<16xi32>
    %shift_right_arithmetic3A_6 = arith.shrsi %add3A_4, %shift_right_arithmetic3A_5 : vector<16xi32>
    %gather3A = tpu.vector_load_idx %arg6[%shift_right_arithmetic3A_6] : memref<256xi32, #tpu.memory_space<vmem>>[vector<16xi32>], vector<16xi32>,
    %mul3A_7 = arith.constant 2 : i32
    %mul3A_8 = vector.broadcast %mul3A_7 : i32 to vector<16xi32>
    %mul3A_9 = arith.muli %mul3A_8, %gather3A : vector<16xi32>
    %and3A = arith.constant 1 : i32
    %and3A_10 = vector.broadcast %and3A : i32 to vector<16xi32>
    %and3A_11 = arith.andi %add3A_4, %and3A_10 : vector<16xi32>
    %add3A_12 = arith.addi %mul3A_9, %and3A_11 : vector<16xi32>
    %gather3A_13 = tpu.vector_load_idx %arg5[%add3A_12] : memref<2048xf32, #tpu.memory_space<vmem>>[vector<16xi32>], vector<16xf32>,
    %swap3A = arith.constant 0 : index
    %swap3A_14 = tpu.vector_load %arg7[%swap3A] {strides = array<i32>} : memref<16xf32, #tpu.memory_space<vmem>>, vector<16xf32>,
    tpu.vector_store %arg7[%swap3A], %gather3A_13 {strides = array<i32>} : memref<16xf32, #tpu.memory_space<vmem>>, vector<16xf32>,
    %mul3A_15 = arith.constant 16 : i32
    %mul3A_16 = arith.muli %mul3A_15, %add3A : i32
    "tpu.region"() ({
      %run_scoped3A = tpu.sem_alloc : memref<!tpu.dma_semaphore, #tpu.memory_space<semaphore_mem>>
      %dma_start3A = tpu.memref_slice %arg4[%mul3A_16] : memref<512xf32, #tpu.memory_space<hbm>> -> memref<16xf32, #tpu.memory_space<hbm>>
      %dma_start3A_17 = tpu.memref_slice %arg4[%mul3A_16] : memref<512xf32, #tpu.memory_space<hbm>> -> memref<16xf32, #tpu.memory_space<hbm>>
      tpu.enqueue_dma source(%arg7 : memref<16xf32, #tpu.memory_space<vmem>>) target(%dma_start3A_17 : memref<16xf32, #tpu.memory_space<hbm>>) target_semaphore(%run_scoped3A : memref<!tpu.dma_semaphore, #tpu.memory_space<semaphore_mem>>)
      %dma_wait3A = tpu.memref_slice %arg4[%mul3A_16] : memref<512xf32, #tpu.memory_space<hbm>> -> memref<16xf32, #tpu.memory_space<hbm>>
      %dma_wait3A_18 = tpu.memref_slice %arg4[%mul3A_16] : memref<512xf32, #tpu.memory_space<hbm>> -> memref<16xf32, #tpu.memory_space<hbm>>
      tpu.wait_dma2 semaphore(%run_scoped3A : memref<!tpu.dma_semaphore, #tpu.memory_space<semaphore_mem>>) src(%arg7 : memref<16xf32, #tpu.memory_space<vmem>>) dst(%dma_wait3A_18 : memref<16xf32, #tpu.memory_space<hbm>>)
      tpu.yield
    }) : () -> ()
    return
  }
}

module attributes {stable_mosaic.version = 14 : i64} {
  func.func @_dist_kernel(%arg0: memref<256x256xf32, #tpu.memory_space<vmem>>, %arg1: memref<256x1024xf32, #tpu.memory_space<vmem>>, %arg2: memref<256xi32, #tpu.memory_space<vmem>>, %arg3: memref<1x1xf32, #tpu.memory_space<vmem>>) attributes {dimension_semantics = [], scalar_prefetch = 0 : i64, scratch_operands = 0 : i64, tpu.core_type = #tpu.core_type<tc>} {
    %get3A = arith.constant 0 : index
    %get3A_0 = arith.constant 0 : index
    %get3A_1 = vector.load %arg0[%get3A, %get3A_0] : memref<256x256xf32, #tpu.memory_space<vmem>>, vector<256x256xf32>
    %add3A = arith.constant 9.99999997E-7 : f32
    %add3A_2 = vector.broadcast %add3A : f32 to vector<256x256xf32>
    %add3A_3 = arith.addf %get3A_1, %add3A_2 : vector<256x256xf32>
    %get3A_4 = arith.constant 0 : index
    %get3A_5 = arith.constant 0 : index
    %get3A_6 = vector.load %arg1[%get3A_4, %get3A_5] : memref<256x1024xf32, #tpu.memory_space<vmem>>, vector<256x1024xf32>
    %mul3A = arith.mulf %get3A_6, %get3A_6 : vector<256x1024xf32>
    %reduce_sum3A = arith.constant dense<0.000000e+00> : vector<1024xf32>
    %reduce_sum3A_7 = vector.multi_reduction <add>, %mul3A, %reduce_sum3A [0] : vector<256x1024xf32> to vector<1024xf32>
    %broadcast_in_dim3A = vector.shape_cast %reduce_sum3A_7 : vector<1024xf32> to vector<1x1024xf32>
    %mul3A_8 = arith.constant 5.000000e-01 : f32
    %mul3A_9 = vector.broadcast %mul3A_8 : f32 to vector<1x1024xf32>
    %mul3A_10 = arith.mulf %mul3A_9, %broadcast_in_dim3A : vector<1x1024xf32>
    %dot_general3A = arith.constant dense<0.000000e+00> : vector<256x1024xf32>
    %dot_general3A_11 = tpu.matmul %add3A_3, %get3A_6, %dot_general3A {dimension_numbers = #tpu.dot_dimension_numbers<[1], [0], [0], [1], [0, 0, 1, 1], [], []>, precision = #tpu.contract_precision<fp32>, transpose_lhs_hint = false} : vector<256x256xf32>, vector<256x1024xf32>, vector<256x1024xf32> -> vector<256x1024xf32>
    %sub3A = vector.broadcast %mul3A_10 : vector<1x1024xf32> to vector<256x1024xf32>
    %sub3A_12 = arith.subf %sub3A, %dot_general3A_11 : vector<256x1024xf32>
    %reduce_min3A = arith.constant dense<0x7F800000> : vector<256xf32>
    %reduce_min3A_13 = vector.multi_reduction <minimumf>, %sub3A_12, %reduce_min3A [1] : vector<256x1024xf32> to vector<256xf32>
    %argmin3A = tpu.reduce_index %sub3A_12 {axis = 1 : i32, kind = #tpu.reduction_kind<arg_min>} : vector<256x1024xf32> -> vector<256xi32>
    %swap3A = arith.constant 0 : index
    %swap3A_14 = vector.load %arg2[%swap3A] : memref<256xi32, #tpu.memory_space<vmem>>, vector<256xi32>
    tpu.vector_store %arg2[%swap3A], %argmin3A {strides = array<i32>} : memref<256xi32, #tpu.memory_space<vmem>>, vector<256xi32>,
    %mul3A_15 = arith.mulf %add3A_3, %add3A_3 : vector<256x256xf32>
    %reduce_sum3A_16 = arith.constant dense<0.000000e+00> : vector<256xf32>
    %reduce_sum3A_17 = vector.multi_reduction <add>, %mul3A_15, %reduce_sum3A_16 [1] : vector<256x256xf32> to vector<256xf32>
    %mul3A_18 = arith.constant 2.000000e+00 : f32
    %mul3A_19 = vector.broadcast %mul3A_18 : f32 to vector<256xf32>
    %mul3A_20 = arith.mulf %mul3A_19, %reduce_min3A_13 : vector<256xf32>
    %add3A_21 = arith.addf %reduce_sum3A_17, %mul3A_20 : vector<256xf32>
    %max3A = arith.constant 0.000000e+00 : f32
    %max3A_22 = vector.broadcast %max3A : f32 to vector<256xf32>
    %max3A_23 = arith.maximumf %add3A_21, %max3A_22 : vector<256xf32>
    %sqrt3A = math.sqrt %max3A_23 : vector<256xf32>
    %reduce_sum3A_24 = vector.shape_cast %sqrt3A : vector<256xf32> to vector<1x256xf32>
    %reduce_sum3A_25 = arith.constant dense<0.000000e+00> : vector<1xf32>
    %reduce_sum3A_26 = vector.multi_reduction <add>, %reduce_sum3A_24, %reduce_sum3A_25 [1] : vector<1x256xf32> to vector<1xf32>
    %reduce_sum3A_27 = vector.shape_cast %reduce_sum3A_26 : vector<1xf32> to vector<1x1xf32>
    %reduce_sum3A_28 = vector.extract %reduce_sum3A_27[0, 0] : f32 from vector<1x1xf32>
    %div3A = arith.constant 2.560000e+02 : f32
    %div3A_29 = arith.divf %reduce_sum3A_28, %div3A : f32
    %reshape3A = vector.broadcast %div3A_29 : f32 to vector<1x1xf32>
    %swap3A_30 = arith.constant 0 : index
    %swap3A_31 = arith.constant 0 : index
    %swap3A_32 = vector.load %arg3[%swap3A_30, %swap3A_31] : memref<1x1xf32, #tpu.memory_space<vmem>>, vector<1x1xf32>
    tpu.vector_store %arg3[%swap3A_30, %swap3A_31], %reshape3A {strides = array<i32>} : memref<1x1xf32, #tpu.memory_space<vmem>>, vector<1x1xf32>,
    return
  }
}

</mosaic_0001>

<sc_bundles>
// kernel: kernel.4.cloned.1.call-start
scs
__scs_entry_jumppad:
0x0: {  	(pc) =	sbr.rel $0x88, $3  }
0x1: {  	(tag) =	ssettag $0x0;
	lr =	simm.s32 $0x1  }
0x2: {  	[smem:$0x3F9E] =	sst lr;
	_ =	strace $0xD0000000  }
0x3: {  	_ = 	snop  }
0x4: {  	_ = 	snop  }
0x5: {  	_ = 	snop  }
0x6: {  	_ = 	snop  }
0x7: {  	_ = 	snop  }
__scs_overlays_trampoline_lowered:
0x8: {  	[smem:$0x3FAD] =	sst s0  }
0x9: {  	[smem:$0x3FAE] =	sst s1  }
0xa: {  	[smem:$0x3FAF] =	sst s2  }
0xb: {  	[smem:$0x3FB0] =	sst s3  }
0xc: {  	[smem:$0x3FB1] =	sst s4  }
0xd: {  	[smem:$0x3FB2] =	sst s5  }
0xe: {  	[smem:$0x3FB3] =	sst s6  }
0xf: {  	[smem:$0x3FB4] =	sst s7  }
0x10: {  	[smem:$0x3FB5] =	sst s8  }
0x11: {  	[smem:$0x3FB6] =	sst s9;
	s0 =	simm.s32 @!p0 $0x0  }
0x12: {  	s1 =	sld [smem:$0x3F9C];
	s0 =	simm.s32 @p0 $0x1  }
0x13: {  	[smem:$0x3FB7] =	sst s0;
	s0 =	simm.s32 @!p1 $0x0  }
0x14: {  	s2 =	sld [smem:$0x3F9B];
	s0 =	simm.s32 @p1 $0x1  }
0x15: {  	[smem:$0x3FB8] =	sst s0;
	s0 =	simm.s32 @!p2 $0x0  }
0x16: {  	s3 =	sld [smem:$0x3FDB];
	s0 =	simm.s32 @p2 $0x1  }
0x17: {  	s4 =	simm.s32 $0x1BF5;
	[smem:$0x3FBA] =	sst s0  }
0x18: {  	s0 =	sld [smem:$0x3F9D];
	_ =	swait.ge [sflag:s4], $0x0  }
0x19: {  	s7 =	sld [smem:$0x3F9E]  }
0x1a: {  	s8 =	sadd.s32 $0xFFFFE003, lr  }
0x1b: {  	s9 =	sadd.s32 $0xFFFFFEF7, lr;
	s5 =	simm.s32 $0xFFFFFFFF;
	p2 =	slt.u32 s8, $0xFFFFF086  }
0x1c: {  	p1 =	slt.u32 s9, $0xF7A;
	s5 =	simm.s32 @!p2 $0x0  }
0x1d: {  	s5 =	simm.s32 @p1 $0x1;
	p0 =	seq.s32 s7, s2  }
0x1e: {  	s7 =	smul.u32 @!p0 $0xF7A, s2;
	p2 =	seq.s32 @!p0 s5, $0x0  }
0x1f: {  	s9 =	smul.u32 $0xF7A, s1;
	s8 =	simm.s32 @!p0 $0x1BF5;
	p2 =	por !p2, p0  }
0x20: {  	[sflag:s8] =	ssyncset.s32 @!p0 $0xFFFFF086;
	s6 =	sadd.s32 @!p0 s3, s7;
	s7 =	simm.s32 @!p0 $0x108  }
0x21: {  	s3 =	sadd.s32 s3, s9;
	s6 =	sadd.s32 @!p0 $0x88, s6;
	s7 =	simm.s32 @p2 $0x1082  }
0x22: {  	[simem:s7], [sflag:s8] =	dma.local @!p0 [hbm:s6], $0xF7A  }
0x23: {  	s9 =	sor.u32 $0xD0000000, s2;
	s6 =	simm.s32 $0x108;
	_ =	swait.ge @!p0 [sflag:s8], $0x0  }
0x24: {  	s3 =	sadd.s32 $0x88, s3;
	s6 =	simm.s32 @!p1 $0x1082;
	[sflag:s4] =	ssyncset.s32 $0xFFFFF086  }
0x25: {  	[simem:s6], [sflag:s4] =	dma.local [hbm:s3], $0xF7A  }
0x26: {  	[smem:$0x3F9E] =	sst s1;
	(tag) =	ssettag s2;
	_ =	strace s9  }
0x27: {  	s1 =	sld [smem:$0x3FAE]  }
0x28: {  	s2 =	sld [smem:$0x3FAF]  }
0x29: {  	s4 =	sld [smem:$0x3FB1]  }
0x2a: {  	p0 =	seq.s32 s5, $0x0;
	s5 =	sld [smem:$0x3FB2]  }
0x2b: {  	s6 =	sld [smem:$0x3FB3]  }
0x2c: {  	s7 =	sld [smem:$0x3FB4]  }
0x2d: {  	s3 =	simm.s32 $0x108;
	s8 =	sld [smem:$0x3FB5]  }
0x2e: {  	s3 =	simm.s32 @!p0 $0x1082;
	s9 =	sld [smem:$0x3FB6]  }
0x2f: {  	lr =	sadd.s32 s0, s3;
	s0 =	sld [smem:$0x3FAD]  }
0x30: {  	s3 =	sld [smem:$0x3FB0]  }
0x31: {  	[smem:$0x3FB9] =	sst s10  }
0x32: {  	s10 =	sld [smem:$0x3FB7];
	_ =	sdelay $0x3  }
0x33: {  	p0 =	seq.s32 s10, $0x1;
	s10 =	sld [smem:$0x3FB9];
	_ =	sdelay $0x3  }
0x34: {  	[smem:$0x3FB9] =	sst s10  }
0x35: {  	s10 =	sld [smem:$0x3FB8];
	_ =	sdelay $0x3  }
0x36: {  	p1 =	seq.s32 s10, $0x1;
	s10 =	sld [smem:$0x3FB9];
	_ =	sdelay $0x3  }
0x37: {  	[smem:$0x3FB9] =	sst s10  }
0x38: {  	s10 =	sld [smem:$0x3FBA]  }
0x39: {  	_ = 	snop;
	(pc) =	sbr.ind lr, $3  }
0x3a: {  	_ = 	snop  }
0x3b: {  	_ = 	snop  }
0x3c: {  	p2 =	seq.s32 s10, $0x1;
	s10 =	sld [smem:$0x3FB9]  }
0x3d: {  	_ =	shalt  }
0x3e: {  	_ =	shalt  }
0x3f: {  	_ =	shalt  }
0x40: {  	_ =	shalt  }
0x41: {  	_ =	shalt  }
0x42: {  	_ =	shalt  }
0x43: {  	_ =	shalt  }
0x44: {  	_ =	shalt  }
0x45: {  	_ =	shalt  }
0x46: {  	_ =	shalt  }
0x47: {  	_ =	shalt  }
0x48: {  	_ =	shalt  }
0x49: {  	_ =	shalt  }
0x4a: {  	_ =	shalt  }
0x4b: {  	_ =	shalt  }
0x4c: {  	_ =	shalt  }
0x4d: {  	_ =	shalt  }
0x4e: {  	_ =	shalt  }
0x4f: {  	_ =	shalt  }
0x50: {  	_ =	shalt  }
0x51: {  	_ =	shalt  }
0x52: {  	_ =	shalt  }
0x53: {  	_ =	shalt  }
0x54: {  	_ =	shalt  }
0x55: {  	_ =	shalt  }
0x56: {  	_ =	shalt  }
0x57: {  	_ =	shalt  }
0x58: {  	_ =	shalt  }
0x59: {  	_ =	shalt  }
0x5a: {  	_ =	shalt  }
0x5b: {  	_ =	shalt  }
0x5c: {  	_ =	shalt  }
0x5d: {  	_ =	shalt  }
0x5e: {  	_ =	shalt  }
0x5f: {  	_ =	shalt  }
0x60: {  	_ =	shalt  }
0x61: {  	_ =	shalt  }
0x62: {  	_ =	shalt  }
0x63: {  	_ =	shalt  }
0x64: {  	_ =	shalt  }
0x65: {  	_ =	shalt  }
0x66: {  	_ =	shalt  }
0x67: {  	_ =	shalt  }
0x68: {  	_ =	shalt  }
0x69: {  	_ =	shalt  }
0x6a: {  	_ =	shalt  }
0x6b: {  	_ =	shalt  }
0x6c: {  	_ =	shalt  }
0x6d: {  	_ =	shalt  }
0x6e: {  	_ =	shalt  }
0x6f: {  	_ =	shalt  }
0x70: {  	_ =	shalt  }
0x71: {  	_ =	shalt  }
0x72: {  	_ =	shalt  }
0x73: {  	_ =	shalt  }
0x74: {  	_ =	shalt  }
0x75: {  	_ =	shalt  }
0x76: {  	_ =	shalt  }
0x77: {  	_ =	shalt  }
0x78: {  	_ =	shalt  }
0x79: {  	_ =	shalt  }
0x7a: {  	_ =	shalt  }
0x7b: {  	_ =	shalt  }
0x7c: {  	_ =	shalt  }
0x7d: {  	_ =	shalt  }
0x7e: {  	_ =	shalt  }
0x7f: {  	_ =	shalt  }
0x80: {  	_ =	shalt  }
0x81: {  	_ =	shalt  }
0x82: {  	_ =	shalt  }
0x83: {  	_ =	shalt  }
0x84: {  	_ =	shalt  }
0x85: {  	_ =	shalt  }
0x86: {  	_ =	shalt  }
0x87: {  	_ =	shalt  }
.Lfunc_end0:
.L_simem_size_0:
called_computation_lowered:
.L_overlay_start_0:
0x88: {  	s2 =	sld [smem:$0x3FD9]  }
0x89: {  	s3 =	sld [smem:$0x3FFE];
	_ =	sdelay $0x1  }
0x8a: {  	s1 =	srdreg.scid  }
0x8b: {  	s0 =	sand.u32 $0x1, s1  }
0x8c: {  	s14 =	sshll.u32 s0, $0xA;
	s2 =	sadd.s32 s3, s2  }
0x8d: {  	s2 =	sadd.s32 s2, s14  }
0x8e: {  	[smem:$0x3FC5] =	sst s2  }
0x8f: {  	_ = 	snop  }
0x90: {  	s2 =	sld [smem:$0x3FD0];
	_ =	sdelay $0x2  }
0x91: {  	s15 =	simm.s32 $0xA;
	s4 =	simm.s32 $0x10  }
0x92: {  	[smem:s4], [sflag:s15] =	dma.local [hbm:s2], $0x1  }
0x93: {  	_ =	swait.eq [sflag:s15], $0x1  }
0x94: {  	[sflag:s15] =	ssyncset.done $0x0  }
0x95: {  	[sflag:s15] =	ssyncadd.s32 $0xFFFFFFFF  }
0x96: {  	s16 =	sld [smem:$0x10];
	(tm) =	ssettm $0x1  }
0x97: {  	s17 =	sld [smem:$0x3FFB];
	_ =	sdelay $0x3  }
0x98: {  	_ =	strace s17  }
0x99: {  	s3 =	sld [smem:$0x3FFC];
	_ =	sdelay $0x3  }
0x9a: {  	_ =	strace s3  }
0x9b: {  	s3 =	sld [smem:$0x3FFD];
	_ =	sdelay $0x3  }
0x9c: {  	_ =	strace s3  }
0x9d: {  	_ =	strace $0x8FFFFFFF  }
0x9e: {  	s18 =	sld [smem:$0x3FDB];
	_ =	sdelay $0x1  }
0x9f: {  	s19 =	simm.s32 $_scs_section_size  }
0xa0: {  	s5 =	simm.s32 $_size__tile_overlayer_lowered;
	s6 =	simm.s32 $_tile_overlayer_lowered  }
0xa1: {  	s22 =	simm.s32 $0x1BFF;
	s21 =	sshll.u32 s6, $0x1;
	s3 =	sadd.s32 s19, s18  }
0xa2: {  	s7 =	simm.s32 $0x0;
	s20 =	sshll.u32 s5, $0x1;
	s5 =	sadd.s32 s21, s3  }
0xa3: {  	[timem:s7], [sflag:s22] =	dma.local [hbm:s5], s20  }
0xa4: {  	_ =	swait.ge [sflag:s22], s20  }
0xa5: {  	s4 =	ssub.s32 $0x0, s20;
	[sflag:s22] =	ssyncset.done $0x0  }
0xa6: {  	[sflag:s22] =	ssyncadd.s32 s4;
	_ =	sdelay $0x1  }
0xa7: {  	s23 =	simm.s32 $0x1B8B  }
0xa8: {  	_ =	swait.ge [sflag:s23], $0x1  }
0xa9: {  	[sflag:s23] =	ssyncset.done $0x0  }
0xaa: {  	s25 =	simm.s32 $0x1B8E;
	s24 =	sld [smem:$0x3FFE];
	[sflag:s23] =	ssyncadd.s32 $0xFFFFFFFF  }
0xab: {  	s26 =	simm.s32 $execute0_lowered;
	[smem:$0x3FD2] =	sst s25  }
0xac: {  	s5 =	sshll.u32 s26, $0x1;
	_ =	strace $0x80000046;
	[dreg:$0x1] =	wrdreg $0xFFFFFFFF  }
0xad: {  	s28 =	simm.s32 $_size_execute0_lowered;
	s3 =	sadd.s32 s3, s5;
	[dreg:$0x0] =	wrdreg $0x0  }
0xae: {  	s5 =	sshll.u32 s28, $0x1;
	[dreg:$0x2] =	wrdreg s3  }
0xaf: {  	[dreg:$0x3] =	wrdreg s5  }
0xb0: {  	[dreg:$0x4] =	wrdreg $0xC0  }
0xb1: {  	_ =	task [dreg:s7], $0x5FFFF  }
0xb2: {  	[dreg:$0x1] =	wrdreg $0xFFFFFFFF  }
0xb3: {  	[dreg:$0x0] =	wrdreg $0x60  }
0xb4: {  	[dreg:$0x2] =	wrdreg s24  }
0xb5: {  	[dreg:$0x3] =	wrdreg s16  }
0xb6: {  	[dreg:$0x4] =	wrdreg $0x9  }
0xb7: {  	_ =	task.clear_ibuf [dreg:s7], $0x5FFFF;
	_ =	strace $0x90000046  }
0xb8: {  	s29 =	simm.s32 $0x9;
	_ =	strace $0x80000048  }
0xb9: {  	_ =	swait.ge [sflag:s29], $0x1  }
0xba: {  	[sflag:s29] =	ssyncadd.s32 $0xFFFFFFFF  }
0xbb: {  	_ =	strace $0x90000048  }
0xbc: {  	_ =	sfence  }
0xbd: {  	s30 =	sld [smem:$0x0];
	_ =	sdelay $0x2  }
0xbe: {  	s31 =	sshll.u32 s1, $0xD;
	s1 =	sshrl.u32 s1, $0x2  }
0xbf: {  	s3 =	sand.u32 $0x4000, s31;
	s1 =	sadd.s32 s1, s30  }
0xc0: {  	s0 =	sor.u32 s3, s0;
	s1 =	sshll.u32 s1, $0x11  }
0xc1: {  	s0 =	sor.u32 s1, s0  }
0xc2: {  	s0 =	sadd.s32 $0x8F2B, s0  }
0xc3: {  	[sflag:s0] =	ssyncadd.remote.s32 $0x1  }
0xc4: {  	_ =	sfence.sel $0xFFFF  }
0xc5: {  	[dreg:$0x0] =	wrdreg $0xFFFFFFFF;
	(pc) =	sbr.abs _section_cstart, $3  }
0xc6: {  	[dreg:$0x1] =	wrdreg $0xFFFFFFFF  }
0xc7: {  	_ =	task.clear_ibuf [dreg:s7], $0x2FFFF;
	_ =	strace $0x9FFFFFFF  }
0xc8: {  	(tm) =	ssettm $0x7FFFFFFF  }
0xc9: {  	_ =	shalt  }
tec
execute0_lowered:
.L_overlay_start_1:
0x0: {  	(tag) =	ssettag $0x1  }
0x1: {  	s5 =	rddreg [dreg:$0x0]  }
0x2: {  	s7 =	rddreg [dreg:$0x1]  }
0x3: {  	s0 =	rddreg [dreg:$0x2];
	s2 =	simm.s32 $0x0;
	s4 =	srdreg.scid  }
0x4: {  	s1 =	stileid.u32;
	[smem:$0x7FF] =	sst s2  }
0x5: {  	s3 =	sadd.s32 $0xC00, s5;
	s8 =	sand.u32 $0x1, s4;
	s6 =	sshll.u32 s1, $0x5  }
0x6: {  	s4 =	simm.s32 $0x1;
	_ =	strace $0x80000047;
	s9 =	sshll.u32 s8, $0x4  }
0x7: {  	[tilespmem:s2], [sflag:$0x1] =	stream.linear.gather [hbm4b:s3+s2], $0x800, $0x38;
	[tilespmem:$0x980] =	vst v63  }
0x8: {  	v1 =	vlaneseq.u32;
	s9 =	sor.u32 s9, s6;
	_ =	swait.ge [sflag:s4], $0x800  }
0x9: {  	v0 =	vor.u32 s9, v1;
	[sflag:s4] =	ssyncset.done $0x0  }
0xa: {  	s5 =	sadd.s32 $0xE00, s5;
	s6 =	simm.s32 $0x800;
	v0 =	vshrl.u32 v0, $0x1;
	[sflag:s4] =	ssyncadd.s32 $0xFFFFF800  }
0xb: {  	[tilespmem:s6], [sflag:$0x1] =	stream.linear.gather [hbm4b:s5+s2], $0x100, $0x38;
	[tilespmem:$0x980] =	vst v63  }
0xc: {  	_ =	swait.ge [sflag:s4], $0x100  }
0xd: {  	[sflag:s4] =	ssyncset.done $0x0  }
0xe: {  	[sflag:s4] =	ssyncadd.s32 $0xFFFFFF00  }
0xf: {  	v2 =	vld.idx.msk [tilespmem:v0+s6+$0x0], $0xffff;
	_ =	sdelay $0x4  }
0x10: {  	v1 =	vand.u32 $0x1, v1;
	v2 =	vshll.u32 v2, $0x1  }
0x11: {  	v2 =	vor.u32 v1, v2;
	_ =	sdelay $0x3  }
0x12: {  	s8 =	ssub.s32 $0x2, s8  }
0x13: {  	s10 =	sshrl.u32 s8, $0x1;
	v2 =	vld.idx.msk [tilespmem:v2+s2+$0x0], $0xffff  }
0x14: {  	s8 =	ssub.s32 s8, s10  }
0x15: {  	s31 =	smax.u32 s8, $0x1  }
0x16: {  	p0 =	sne.s32 s31, $0x1  }
.Ltmp0:
0x17: {  	s9 =	sshrl.u32 s9, $0x3;
	(pc) =	sbr.rel @!p0 .LBB2_2-.Ltmp0, $4  }
0x18: {  	s7 =	sadd.s32 s7, s9;
	s8 =	simm.s32 $0x900;
	[tilespmem:$0x900] =	vst v2  }
0x19: {  	[hbm4b:s7+s2] =	stream.linear.scatter [tilespmem:s8], [sflag:$0x1], $0x10, $0x38;
	[tilespmem:$0x980] =	vst v63  }
0x1a: {  	_ =	swait.ge [sflag:s4], $0x10  }
0x1b: {  	s9 =	sadd.s32 $0xFFFFFFFF, s31;
	[sflag:s4] =	ssyncset.done $0x0  }
.LBB2_1:
0x1c: {  	p0 =	sne.s32 s9, $0x1;
	s9 =	sadd.s32 $0xFFFFFFFF, s9;
	[sflag:s4] =	ssyncadd.s32 $0xFFFFFFF0  }
0x1d: {  	[tilespmem:s2], [sflag:$0x1] =	stream.linear.gather [hbm4b:s3+s2], $0x800, $0x38;
	[tilespmem:$0x980] =	vst v63  }
0x1e: {  	_ =	swait.ge [sflag:s4], $0x800  }
0x1f: {  	[sflag:s4] =	ssyncset.done $0x0  }
0x20: {  	[sflag:s4] =	ssyncadd.s32 $0xFFFFF800  }
0x21: {  	[tilespmem:s6], [sflag:$0x1] =	stream.linear.gather [hbm4b:s5+s2], $0x100, $0x38;
	[tilespmem:$0x980] =	vst v63  }
0x22: {  	_ =	swait.ge [sflag:s4], $0x100  }
0x23: {  	[sflag:s4] =	ssyncset.done $0x0  }
0x24: {  	[sflag:s4] =	ssyncadd.s32 $0xFFFFFF00  }
0x25: {  	v2 =	vld.idx.msk [tilespmem:v0+s6+$0x0], $0xffff;
	_ =	sdelay $0x5  }
0x26: {  	v2 =	vshll.u32 v2, $0x1  }
0x27: {  	v2 =	vor.u32 v1, v2;
	_ =	sdelay $0x4  }
0x28: {  	v2 =	vld.idx.msk [tilespmem:v2+s2+$0x0], $0xffff;
	_ =	sdelay $0x4  }
.Ltmp1:
0x29: {  	(pc) =	sbr.rel @p0 .LBB2_1-.Ltmp1, $4  }
0x2a: {  	[tilespmem:$0x900] =	vst v2  }
0x2b: {  	[hbm4b:s7+s2] =	stream.linear.scatter [tilespmem:s8], [sflag:$0x1], $0x10, $0x38;
	[tilespmem:$0x980] =	vst v63  }
0x2c: {  	_ =	swait.ge [sflag:s4], $0x10  }
0x2d: {  	[sflag:s4] =	ssyncset.done $0x0  }
.LBB2_2:
0x2e: {  	[sflag:s4] =	ssyncadd.s32 $0xFFFFFFF0  }
0x2f: {  	_ =	sfence.sel $0x180000  }
0x30: {  	[bflag:$0x0] =	sbarrier.arrive $0xFFFF  }
0x31: {  	p0 =	sne.s32 s1, $0x0;
	_ =	strace $0x90000047  }
0x32: {  	s0 =	sadd.s32 @!p0 $0x100000, s0;
	[bflag:$0x2] =	sbarrier.arrive $0xFFFF  }
0x33: {  	[sflag:s0] =	ssyncadd.tile.s32 @!p0 $0x1;
	_ =	shalt  }
.Lfunc_end2:
_tile_overlayer_lowered:
.L_overlay_start_2:
0x34: {  	(tag) =	ssettag $0x2  }
0x35: {  	s0 =	rddreg [dreg:$0x0];
	s2 =	stileid.u32  }
0x36: {  	s1 =	rddreg [dreg:$0x1];
	p0 =	sne.s32 s2, $0x0  }
0x37: {  	s3 =	rddreg [dreg:$0x2];
	[bflag:$0x3] =	sbarrier.arrive $0xFFFF;
	s2 =	simm.s32 @!p0 $0x1C01  }
0x38: {  	[timem:s3], [sflag:s2] =	dma.local @!p0 [hbm:s0], s1  }
0x39: {  	s0 =	simm.s32 @!p0 $0x1  }
0x3a: {  	_ =	swait.ge @!p0 [sflag:s0], s1  }
0x3b: {  	s1 =	ssub.s32 @!p0 $0x0, s1;
	[sflag:s0] =	ssyncset.done @!p0 $0x0  }
0x3c: {  	[sflag:s0] =	ssyncadd.s32 @!p0 s1  }
0x3d: {  	[bflag:$0x3] =	sbarrier.arrive $0xFFFF  }
0x3e: {  	_ =	shalt  }

</sc_bundles>
